<compile_context>
chip_gen: v7x
topology: tpu7x:2x2x1
jax: 0.10.2.dev20260603
libtpu: 0.0.44.dev20260713+nightly
codegen_flags: <defaults>
</compile_context>

<pallas_src>
import functools

import jax
import jax.numpy as jnp
from jax import lax
from jax.experimental import pallas as pl
from jax.experimental.pallas import tpu as pltpu
from jax.experimental.pallas import tpu_sc as plsc

VOCAB = 1000000
EMBED_DIM = 64
BATCH = 16384
HIST_LEN = 50

NUM_CORES = 2
NUM_SUBCORES = 16
NUM_WORKERS = NUM_CORES * NUM_SUBCORES

B_FLAT = BATCH * HIST_LEN
B_PER_W = B_FLAT // NUM_WORKERS
CHUNK = 512
NCHUNKS = B_PER_W // CHUNK
NPAIRS = NCHUNKS // 2

assert B_PER_W * NUM_WORKERS == B_FLAT
assert NPAIRS * 2 * CHUNK == B_PER_W

_MESH = plsc.VectorSubcoreMesh(
    core_axis_name="c",
    subcore_axis_name="s",
    num_cores=NUM_CORES,
    num_subcores=NUM_SUBCORES,
)


@functools.partial(
    pl.kernel,
    out_type=jax.ShapeDtypeStruct((B_FLAT, EMBED_DIM), jnp.float32),
    mesh=_MESH,
    scratch_types=[
        pltpu.VMEM((CHUNK,), jnp.int32),
        pltpu.VMEM((CHUNK,), jnp.int32),
        pltpu.VMEM((CHUNK, EMBED_DIM), jnp.float32),
        pltpu.VMEM((CHUNK, EMBED_DIM), jnp.float32),
        pltpu.SemaphoreType.DMA,
        pltpu.SemaphoreType.DMA,
        pltpu.SemaphoreType.DMA,
        pltpu.SemaphoreType.DMA,
        pltpu.SemaphoreType.DMA,
        pltpu.SemaphoreType.DMA,
    ],
    compiler_params=pltpu.CompilerParams(use_tc_tiling_on_sc=False),
)
def _gather_kernel(table_hbm, idx_hbm, out_hbm,
                   idx0, idx1, rows0, rows1,
                   si0, si1, sg0, sg1, so0, so1):
    wid = lax.axis_index("s") * NUM_CORES + lax.axis_index("c")
    base = wid * B_PER_W

    def pair_body(c, first, last):
        g0 = pltpu.async_copy(table_hbm.at[idx0], rows0, sg0)
        if not first:
            pltpu.make_async_copy(
                rows1, out_hbm.at[pl.ds(base + (c - 1) * CHUNK, CHUNK)], so1
            ).wait()
        g0.wait()
        o0 = pltpu.async_copy(
            rows0, out_hbm.at[pl.ds(base + c * CHUNK, CHUNK)], so0)
        if not last:
            i0 = pltpu.async_copy(
                idx_hbm.at[pl.ds(base + (c + 2) * CHUNK, CHUNK)], idx0, si0)
        g1 = pltpu.async_copy(table_hbm.at[idx1], rows1, sg1)
        g1.wait()
        o1 = pltpu.async_copy(
            rows1, out_hbm.at[pl.ds(base + (c + 1) * CHUNK, CHUNK)], so1)
        if not last:
            i1 = pltpu.async_copy(
                idx_hbm.at[pl.ds(base + (c + 3) * CHUNK, CHUNK)], idx1, si1)
            i0.wait()
            i1.wait()
        o0.wait()
        if last:
            o1.wait()

    pltpu.sync_copy(idx_hbm.at[pl.ds(base, CHUNK)], idx0)
    pltpu.sync_copy(idx_hbm.at[pl.ds(base + CHUNK, CHUNK)], idx1)

    pair_body(0, first=True, last=False)

    @pl.loop(1, NPAIRS - 1)
    def _pair(i):
        pair_body(2 * i, first=False, last=False)

    pair_body(2 * (NPAIRS - 1), first=False, last=True)


def kernel(item_embeddings, batch_data):
    idx = batch_data.reshape(-1).astype(jnp.int32)
    out = _gather_kernel(item_embeddings, idx)
    o2 = jax.lax.optimization_barrier(
        out.reshape(BATCH, HIST_LEN * EMBED_DIM))
    return o2.reshape(BATCH, HIST_LEN, EMBED_DIM)

# --- scband reference (transcript-rebuilt; emitter-appended) ---
"""Pipeline reference for scband-graph-item-encoder-6012954214928 (READ-ONLY COPY).

The authoritative reference and input builder live on the scoring server;
editing this copy changes nothing except your own understanding.
"""

import jax, jax.numpy as jnp
import numpy as np

VOCAB = 1000000
EMBED_DIM = 64
BATCH = 16384
HIST_LEN = 50

def setup_inputs(seed: int = 0) -> dict:
    key = jax.random.key(seed)
    k_table, k_idx = jax.random.split(key)
    item_embeddings = jax.random.normal(k_table, (VOCAB, EMBED_DIM), dtype=jnp.float32)
    batch_data = jax.random.randint(k_idx, (BATCH, HIST_LEN), 0, VOCAB, dtype=jnp.int64)
    return {"item_embeddings": item_embeddings, "batch_data": batch_data}

def reference(item_embeddings, batch_data):
    # Faithful translation of: self.item_embeddings[batch_data]
    return jnp.take(item_embeddings, batch_data, axis=0)

if __name__ == "__main__":
    import jax
    _d = setup_inputs()
    print(jax.jit(kernel)(*tuple(_d.values())))

</pallas_src>

<mosaic_0001>
#map = affine_map<(d0, d1) -> (0, 0)>
#map1 = affine_map<(d0, d1) -> (0)>
module attributes {stable_mosaic.version = 14 : i64} {
  func.func @_gather_kernel(%arg0: i32, %arg1: i32, %arg2: memref<1000000x64xf32, #tpu.memory_space<hbm>>, %arg3: memref<819200xi32, #tpu.memory_space<hbm>>, %arg4: memref<819200x64xf32, #tpu.memory_space<hbm>>, %arg5: memref<512xi32, #tpu.memory_space<vmem>>, %arg6: memref<512xi32, #tpu.memory_space<vmem>>, %arg7: memref<512x64xf32, #tpu.memory_space<vmem>>, %arg8: memref<512x64xf32, #tpu.memory_space<vmem>>, %arg9: memref<!tpu.dma_semaphore, #tpu.memory_space<semaphore_mem>>, %arg10: memref<!tpu.dma_semaphore, #tpu.memory_space<semaphore_mem>>, %arg11: memref<!tpu.dma_semaphore, #tpu.memory_space<semaphore_mem>>, %arg12: memref<!tpu.dma_semaphore, #tpu.memory_space<semaphore_mem>>, %arg13: memref<!tpu.dma_semaphore, #tpu.memory_space<semaphore_mem>>, %arg14: memref<!tpu.dma_semaphore, #tpu.memory_space<semaphore_mem>>) attributes {dimension_semantics = [#tpu.dimension_semantics<core_parallel>, #tpu.dimension_semantics<subcore_parallel>], iteration_bounds = array<i64: 2, 16>, scalar_prefetch = 0 : i64, scratch_operands = 10 : i64, tpu.core_type = #tpu.core_type<sc_vector_subcore>, window_params = [{transform_indices = #map}, {transform_indices = #map1}, {transform_indices = #map}]} {
    %mul3A = arith.constant 2 : i32
    %mul3A_0 = arith.muli %arg1, %mul3A : i32
    %add3A = arith.addi %mul3A_0, %arg0 : i32
    %mul3A_1 = arith.constant 25600 : i32
    %mul3A_2 = arith.muli %add3A, %mul3A_1 : i32
    "tpu.region"() ({
      %run_scoped3A = tpu.sem_alloc : memref<!tpu.dma_semaphore, #tpu.memory_space<semaphore_mem>>
      %dma_start3A_85 = tpu.memref_slice %arg3[%mul3A_2] : memref<819200xi32, #tpu.memory_space<hbm>> -> memref<512xi32, #tpu.memory_space<hbm>>
      %dma_start3A_86 = tpu.memref_slice %arg3[%mul3A_2] : memref<819200xi32, #tpu.memory_space<hbm>> -> memref<512xi32, #tpu.memory_space<hbm>>
      tpu.enqueue_dma source(%dma_start3A_86 : memref<512xi32, #tpu.memory_space<hbm>>) target(%arg5 : memref<512xi32, #tpu.memory_space<vmem>>) target_semaphore(%run_scoped3A : memref<!tpu.dma_semaphore, #tpu.memory_space<semaphore_mem>>)
      %dma_wait3A_87 = tpu.memref_slice %arg3[%mul3A_2] : memref<819200xi32, #tpu.memory_space<hbm>> -> memref<512xi32, #tpu.memory_space<hbm>>
      %dma_wait3A_88 = tpu.memref_slice %arg3[%mul3A_2] : memref<819200xi32, #tpu.memory_space<hbm>> -> memref<512xi32, #tpu.memory_space<hbm>>
      tpu.wait_dma2 semaphore(%run_scoped3A : memref<!tpu.dma_semaphore, #tpu.memory_space<semaphore_mem>>) src(%dma_wait3A_88 : memref<512xi32, #tpu.memory_space<hbm>>) dst(%arg5 : memref<512xi32, #tpu.memory_space<vmem>>)
      tpu.yield
    }) : () -> ()
    %add3A_3 = arith.constant 512 : i32
    %add3A_4 = arith.addi %mul3A_2, %add3A_3 : i32
    "tpu.region"() ({
      %run_scoped3A = tpu.sem_alloc : memref<!tpu.dma_semaphore, #tpu.memory_space<semaphore_mem>>
      %dma_start3A_85 = tpu.memref_slice %arg3[%add3A_4] : memref<819200xi32, #tpu.memory_space<hbm>> -> memref<512xi32, #tpu.memory_space<hbm>>
      %dma_start3A_86 = tpu.memref_slice %arg3[%add3A_4] : memref<819200xi32, #tpu.memory_space<hbm>> -> memref<512xi32, #tpu.memory_space<hbm>>
      tpu.enqueue_dma source(%dma_start3A_86 : memref<512xi32, #tpu.memory_space<hbm>>) target(%arg6 : memref<512xi32, #tpu.memory_space<vmem>>) target_semaphore(%run_scoped3A : memref<!tpu.dma_semaphore, #tpu.memory_space<semaphore_mem>>)
      %dma_wait3A_87 = tpu.memref_slice %arg3[%add3A_4] : memref<819200xi32, #tpu.memory_space<hbm>> -> memref<512xi32, #tpu.memory_space<hbm>>
      %dma_wait3A_88 = tpu.memref_slice %arg3[%add3A_4] : memref<819200xi32, #tpu.memory_space<hbm>> -> memref<512xi32, #tpu.memory_space<hbm>>
      tpu.wait_dma2 semaphore(%run_scoped3A : memref<!tpu.dma_semaphore, #tpu.memory_space<semaphore_mem>>) src(%dma_wait3A_88 : memref<512xi32, #tpu.memory_space<hbm>>) dst(%arg6 : memref<512xi32, #tpu.memory_space<vmem>>)
      tpu.yield
    }) : () -> ()
    %dma_start3A = arith.constant 0 : i32
    %dma_start3A_5 = arith.constant 0 : i32
    %dma_start3A_6 = tpu.memref_slice %arg2[%dma_start3A, %dma_start3A_5] : memref<1000000x64xf32, #tpu.memory_space<hbm>> -> memref<1000000x64xf32, #tpu.memory_space<hbm>>
    tpu.enqueue_indirect_dma source(%dma_start3A_6 : memref<1000000x64xf32, #tpu.memory_space<hbm>>) target(%arg7 : memref<512x64xf32, #tpu.memory_space<vmem>>) offsets(%arg5 : memref<512xi32, #tpu.memory_space<vmem>>) semaphore(%arg11 : memref<!tpu.dma_semaphore, #tpu.memory_space<semaphore_mem>>)
    %dma_wait3A = arith.constant 0 : i32
    %dma_wait3A_7 = arith.constant 0 : i32
    %dma_wait3A_8 = tpu.memref_slice %arg2[%dma_wait3A, %dma_wait3A_7] : memref<1000000x64xf32, #tpu.memory_space<hbm>> -> memref<1000000x64xf32, #tpu.memory_space<hbm>>
    tpu.wait_indirect_dma semaphore(%arg11 : memref<!tpu.dma_semaphore, #tpu.memory_space<semaphore_mem>>) src(%dma_wait3A_8 : memref<1000000x64xf32, #tpu.memory_space<hbm>>) dst(%arg7 : memref<512x64xf32, #tpu.memory_space<vmem>>)
    %add3A_9 = arith.constant 0 : i32
    %add3A_10 = arith.addi %mul3A_2, %add3A_9 : i32
    %dma_start3A_11 = arith.constant 0 : i32
    %dma_start3A_12 = tpu.memref_slice %arg4[%add3A_10, %dma_start3A_11] : memref<819200x64xf32, #tpu.memory_space<hbm>> -> memref<512x64xf32, #tpu.memory_space<hbm>>
    %dma_start3A_13 = arith.constant 0 : i32
    %dma_start3A_14 = tpu.memref_slice %arg4[%add3A_10, %dma_start3A_13] : memref<819200x64xf32, #tpu.memory_space<hbm>> -> memref<512x64xf32, #tpu.memory_space<hbm>>
    tpu.enqueue_dma source(%arg7 : memref<512x64xf32, #tpu.memory_space<vmem>>) target(%dma_start3A_14 : memref<512x64xf32, #tpu.memory_space<hbm>>) target_semaphore(%arg13 : memref<!tpu.dma_semaphore, #tpu.memory_space<semaphore_mem>>)
    %add3A_15 = arith.constant 1024 : i32
    %add3A_16 = arith.addi %mul3A_2, %add3A_15 : i32
    %dma_start3A_17 = tpu.memref_slice %arg3[%add3A_16] : memref<819200xi32, #tpu.memory_space<hbm>> -> memref<512xi32, #tpu.memory_space<hbm>>
    %dma_start3A_18 = tpu.memref_slice %arg3[%add3A_16] : memref<819200xi32, #tpu.memory_space<hbm>> -> memref<512xi32, #tpu.memory_space<hbm>>
    tpu.enqueue_dma source(%dma_start3A_18 : memref<512xi32, #tpu.memory_space<hbm>>) target(%arg5 : memref<512xi32, #tpu.memory_space<vmem>>) target_semaphore(%arg9 : memref<!tpu.dma_semaphore, #tpu.memory_space<semaphore_mem>>)
    %dma_start3A_19 = arith.constant 0 : i32
    %dma_start3A_20 = arith.constant 0 : i32
    %dma_start3A_21 = tpu.memref_slice %arg2[%dma_start3A_19, %dma_start3A_20] : memref<1000000x64xf32, #tpu.memory_space<hbm>> -> memref<1000000x64xf32, #tpu.memory_space<hbm>>
    tpu.enqueue_indirect_dma source(%dma_start3A_21 : memref<1000000x64xf32, #tpu.memory_space<hbm>>) target(%arg8 : memref<512x64xf32, #tpu.memory_space<vmem>>) offsets(%arg6 : memref<512xi32, #tpu.memory_space<vmem>>) semaphore(%arg12 : memref<!tpu.dma_semaphore, #tpu.memory_space<semaphore_mem>>)
    %dma_wait3A_22 = arith.constant 0 : i32
    %dma_wait3A_23 = arith.constant 0 : i32
    %dma_wait3A_24 = tpu.memref_slice %arg2[%dma_wait3A_22, %dma_wait3A_23] : memref<1000000x64xf32, #tpu.memory_space<hbm>> -> memref<1000000x64xf32, #tpu.memory_space<hbm>>
    tpu.wait_indirect_dma semaphore(%arg12 : memref<!tpu.dma_semaphore, #tpu.memory_space<semaphore_mem>>) src(%dma_wait3A_24 : memref<1000000x64xf32, #tpu.memory_space<hbm>>) dst(%arg8 : memref<512x64xf32, #tpu.memory_space<vmem>>)
    %add3A_25 = arith.constant 512 : i32
    %add3A_26 = arith.addi %mul3A_2, %add3A_25 : i32
    %dma_start3A_27 = arith.constant 0 : i32
    %dma_start3A_28 = tpu.memref_slice %arg4[%add3A_26, %dma_start3A_27] : memref<819200x64xf32, #tpu.memory_space<hbm>> -> memref<512x64xf32, #tpu.memory_space<hbm>>
    %dma_start3A_29 = arith.constant 0 : i32
    %dma_start3A_30 = tpu.memref_slice %arg4[%add3A_26, %dma_start3A_29] : memref<819200x64xf32, #tpu.memory_space<hbm>> -> memref<512x64xf32, #tpu.memory_space<hbm>>
    tpu.enqueue_dma source(%arg8 : memref<512x64xf32, #tpu.memory_space<vmem>>) target(%dma_start3A_30 : memref<512x64xf32, #tpu.memory_space<hbm>>) target_semaphore(%arg14 : memref<!tpu.dma_semaphore, #tpu.memory_space<semaphore_mem>>)
    %add3A_31 = arith.constant 1536 : i32
    %add3A_32 = arith.addi %mul3A_2, %add3A_31 : i32
    %dma_start3A_33 = tpu.memref_slice %arg3[%add3A_32] : memref<819200xi32, #tpu.memory_space<hbm>> -> memref<512xi32, #tpu.memory_space<hbm>>
    %dma_start3A_34 = tpu.memref_slice %arg3[%add3A_32] : memref<819200xi32, #tpu.memory_space<hbm>> -> memref<512xi32, #tpu.memory_space<hbm>>
    tpu.enqueue_dma source(%dma_start3A_34 : memref<512xi32, #tpu.memory_space<hbm>>) target(%arg6 : memref<512xi32, #tpu.memory_space<vmem>>) target_semaphore(%arg10 : memref<!tpu.dma_semaphore, #tpu.memory_space<semaphore_mem>>)
    %dma_wait3A_35 = tpu.memref_slice %arg3[%add3A_16] : memref<819200xi32, #tpu.memory_space<hbm>> -> memref<512xi32, #tpu.memory_space<hbm>>
    %dma_wait3A_36 = tpu.memref_slice %arg3[%add3A_16] : memref<819200xi32, #tpu.memory_space<hbm>> -> memref<512xi32, #tpu.memory_space<hbm>>
    tpu.wait_dma2 semaphore(%arg9 : memref<!tpu.dma_semaphore, #tpu.memory_space<semaphore_mem>>) src(%dma_wait3A_36 : memref<512xi32, #tpu.memory_space<hbm>>) dst(%arg5 : memref<512xi32, #tpu.memory_space<vmem>>)
    %dma_wait3A_37 = tpu.memref_slice %arg3[%add3A_32] : memref<819200xi32, #tpu.memory_space<hbm>> -> memref<512xi32, #tpu.memory_space<hbm>>
    %dma_wait3A_38 = tpu.memref_slice %arg3[%add3A_32] : memref<819200xi32, #tpu.memory_space<hbm>> -> memref<512xi32, #tpu.memory_space<hbm>>
    tpu.wait_dma2 semaphore(%arg10 : memref<!tpu.dma_semaphore, #tpu.memory_space<semaphore_mem>>) src(%dma_wait3A_38 : memref<512xi32, #tpu.memory_space<hbm>>) dst(%arg6 : memref<512xi32, #tpu.memory_space<vmem>>)
    %dma_wait3A_39 = arith.constant 0 : i32
    %dma_wait3A_40 = tpu.memref_slice %arg4[%add3A_10, %dma_wait3A_39] : memref<819200x64xf32, #tpu.memory_space<hbm>> -> memref<512x64xf32, #tpu.memory_space<hbm>>
    %dma_wait3A_41 = arith.constant 0 : i32
    %dma_wait3A_42 = tpu.memref_slice %arg4[%add3A_10, %dma_wait3A_41] : memref<819200x64xf32, #tpu.memory_space<hbm>> -> memref<512x64xf32, #tpu.memory_space<hbm>>
    tpu.wait_dma2 semaphore(%arg13 : memref<!tpu.dma_semaphore, #tpu.memory_space<semaphore_mem>>) src(%arg7 : memref<512x64xf32, #tpu.memory_space<vmem>>) dst(%dma_wait3A_42 : memref<512x64xf32, #tpu.memory_space<hbm>>)
    %scan3A = arith.constant 0 : i32
    %scan3A_43 = arith.constant 23 : i32
    %scan3A_44 = arith.addi %scan3A, %scan3A_43 : i32
    %scan3A_45 = arith.constant 1 : i32
    scf.for %scan3A_85 = %scan3A to %scan3A_44 step %scan3A_45  : i32 {
      %mul3A_86 = arith.constant 1 : i32
      %mul3A_87 = arith.muli %scan3A_85, %mul3A_86 : i32
      %add3A_88 = arith.constant 1 : i32
      %add3A_89 = arith.addi %add3A_88, %mul3A_87 : i32
      %mul3A_90 = arith.constant 2 : i32
      %mul3A_91 = arith.muli %mul3A_90, %add3A_89 : i32
      %dma_start3A_92 = arith.constant 0 : i32
      %dma_start3A_93 = arith.constant 0 : i32
      %dma_start3A_94 = tpu.memref_slice %arg2[%dma_start3A_92, %dma_start3A_93] : memref<1000000x64xf32, #tpu.memory_space<hbm>> -> memref<1000000x64xf32, #tpu.memory_space<hbm>>
      tpu.enqueue_indirect_dma source(%dma_start3A_94 : memref<1000000x64xf32, #tpu.memory_space<hbm>>) target(%arg7 : memref<512x64xf32, #tpu.memory_space<vmem>>) offsets(%arg5 : memref<512xi32, #tpu.memory_space<vmem>>) semaphore(%arg11 : memref<!tpu.dma_semaphore, #tpu.memory_space<semaphore_mem>>)
      %sub3A = arith.constant 1 : i32
      %sub3A_95 = arith.subi %mul3A_91, %sub3A : i32
      %mul3A_96 = arith.constant 512 : i32
      %mul3A_97 = arith.muli %sub3A_95, %mul3A_96 : i32
      %add3A_98 = arith.addi %mul3A_2, %mul3A_97 : i32
      %dma_wait3A_99 = arith.constant 0 : i32
      %dma_wait3A_100 = tpu.memref_slice %arg4[%add3A_98, %dma_wait3A_99] : memref<819200x64xf32, #tpu.memory_space<hbm>> -> memref<512x64xf32, #tpu.memory_space<hbm>>
      %dma_wait3A_101 = arith.constant 0 : i32
      %dma_wait3A_102 = tpu.memref_slice %arg4[%add3A_98, %dma_wait3A_101] : memref<819200x64xf32, #tpu.memory_space<hbm>> -> memref<512x64xf32, #tpu.memory_space<hbm>>
      tpu.wait_dma2 semaphore(%arg14 : memref<!tpu.dma_semaphore, #tpu.memory_space<semaphore_mem>>) src(%arg8 : memref<512x64xf32, #tpu.memory_space<vmem>>) dst(%dma_wait3A_102 : memref<512x64xf32, #tpu.memory_space<hbm>>)
      %dma_wait3A_103 = arith.constant 0 : i32
      %dma_wait3A_104 = arith.constant 0 : i32
      %dma_wait3A_105 = tpu.memref_slice %arg2[%dma_wait3A_103, %dma_wait3A_104] : memref<1000000x64xf32, #tpu.memory_space<hbm>> -> memref<1000000x64xf32, #tpu.memory_space<hbm>>
      tpu.wait_indirect_dma semaphore(%arg11 : memref<!tpu.dma_semaphore, #tpu.memory_space<semaphore_mem>>) src(%dma_wait3A_105 : memref<1000000x64xf32, #tpu.memory_space<hbm>>) dst(%arg7 : memref<512x64xf32, #tpu.memory_space<vmem>>)
      %mul3A_106 = arith.constant 512 : i32
      %mul3A_107 = arith.muli %mul3A_91, %mul3A_106 : i32
      %add3A_108 = arith.addi %mul3A_2, %mul3A_107 : i32
      %dma_start3A_109 = arith.constant 0 : i32
      %dma_start3A_110 = tpu.memref_slice %arg4[%add3A_108, %dma_start3A_109] : memref<819200x64xf32, #tpu.memory_space<hbm>> -> memref<512x64xf32, #tpu.memory_space<hbm>>
      %dma_start3A_111 = arith.constant 0 : i32
      %dma_start3A_112 = tpu.memref_slice %arg4[%add3A_108, %dma_start3A_111] : memref<819200x64xf32, #tpu.memory_space<hbm>> -> memref<512x64xf32, #tpu.memory_space<hbm>>
      tpu.enqueue_dma source(%arg7 : memref<512x64xf32, #tpu.memory_space<vmem>>) target(%dma_start3A_112 : memref<512x64xf32, #tpu.memory_space<hbm>>) target_semaphore(%arg13 : memref<!tpu.dma_semaphore, #tpu.memory_space<semaphore_mem>>)
      %add3A_113 = arith.constant 2 : i32
      %add3A_114 = arith.addi %mul3A_91, %add3A_113 : i32
      %mul3A_115 = arith.constant 512 : i32
      %mul3A_116 = arith.muli %add3A_114, %mul3A_115 : i32
      %add3A_117 = arith.addi %mul3A_2, %mul3A_116 : i32
      %dma_start3A_118 = tpu.memref_slice %arg3[%add3A_117] : memref<819200xi32, #tpu.memory_space<hbm>> -> memref<512xi32, #tpu.memory_space<hbm>>
      %dma_start3A_119 = tpu.memref_slice %arg3[%add3A_117] : memref<819200xi32, #tpu.memory_space<hbm>> -> memref<512xi32, #tpu.memory_space<hbm>>
      tpu.enqueue_dma source(%dma_start3A_119 : memref<512xi32, #tpu.memory_space<hbm>>) target(%arg5 : memref<512xi32, #tpu.memory_space<vmem>>) target_semaphore(%arg9 : memref<!tpu.dma_semaphore, #tpu.memory_space<semaphore_mem>>)
      %dma_start3A_120 = arith.constant 0 : i32
      %dma_start3A_121 = arith.constant 0 : i32
      %dma_start3A_122 = tpu.memref_slice %arg2[%dma_start3A_120, %dma_start3A_121] : memref<1000000x64xf32, #tpu.memory_space<hbm>> -> memref<1000000x64xf32, #tpu.memory_space<hbm>>
      tpu.enqueue_indirect_dma source(%dma_start3A_122 : memref<1000000x64xf32, #tpu.memory_space<hbm>>) target(%arg8 : memref<512x64xf32, #tpu.memory_space<vmem>>) offsets(%arg6 : memref<512xi32, #tpu.memory_space<vmem>>) semaphore(%arg12 : memref<!tpu.dma_semaphore, #tpu.memory_space<semaphore_mem>>)
      %dma_wait3A_123 = arith.constant 0 : i32
      %dma_wait3A_124 = arith.constant 0 : i32
      %dma_wait3A_125 = tpu.memref_slice %arg2[%dma_wait3A_123, %dma_wait3A_124] : memref<1000000x64xf32, #tpu.memory_space<hbm>> -> memref<1000000x64xf32, #tpu.memory_space<hbm>>
      tpu.wait_indirect_dma semaphore(%arg12 : memref<!tpu.dma_semaphore, #tpu.memory_space<semaphore_mem>>) src(%dma_wait3A_125 : memref<1000000x64xf32, #tpu.memory_space<hbm>>) dst(%arg8 : memref<512x64xf32, #tpu.memory_space<vmem>>)
      %add3A_126 = arith.constant 1 : i32
      %add3A_127 = arith.addi %mul3A_91, %add3A_126 : i32
      %mul3A_128 = arith.constant 512 : i32
      %mul3A_129 = arith.muli %add3A_127, %mul3A_128 : i32
      %add3A_130 = arith.addi %mul3A_2, %mul3A_129 : i32
      %dma_start3A_131 = arith.constant 0 : i32
      %dma_start3A_132 = tpu.memref_slice %arg4[%add3A_130, %dma_start3A_131] : memref<819200x64xf32, #tpu.memory_space<hbm>> -> memref<512x64xf32, #tpu.memory_space<hbm>>
      %dma_start3A_133 = arith.constant 0 : i32
      %dma_start3A_134 = tpu.memref_slice %arg4[%add3A_130, %dma_start3A_133] : memref<819200x64xf32, #tpu.memory_space<hbm>> -> memref<512x64xf32, #tpu.memory_space<hbm>>
      tpu.enqueue_dma source(%arg8 : memref<512x64xf32, #tpu.memory_space<vmem>>) target(%dma_start3A_134 : memref<512x64xf32, #tpu.memory_space<hbm>>) target_semaphore(%arg14 : memref<!tpu.dma_semaphore, #tpu.memory_space<semaphore_mem>>)
      %add3A_135 = arith.constant 3 : i32
      %add3A_136 = arith.addi %mul3A_91, %add3A_135 : i32
      %mul3A_137 = arith.constant 512 : i32
      %mul3A_138 = arith.muli %add3A_136, %mul3A_137 : i32
      %add3A_139 = arith.addi %mul3A_2, %mul3A_138 : i32
      %dma_start3A_140 = tpu.memref_slice %arg3[%add3A_139] : memref<819200xi32, #tpu.memory_space<hbm>> -> memref<512xi32, #tpu.memory_space<hbm>>
      %dma_start3A_141 = tpu.memref_slice %arg3[%add3A_139] : memref<819200xi32, #tpu.memory_space<hbm>> -> memref<512xi32, #tpu.memory_space<hbm>>
      tpu.enqueue_dma source(%dma_start3A_141 : memref<512xi32, #tpu.memory_space<hbm>>) target(%arg6 : memref<512xi32, #tpu.memory_space<vmem>>) target_semaphore(%arg10 : memref<!tpu.dma_semaphore, #tpu.memory_space<semaphore_mem>>)
      %dma_wait3A_142 = tpu.memref_slice %arg3[%add3A_117] : memref<819200xi32, #tpu.memory_space<hbm>> -> memref<512xi32, #tpu.memory_space<hbm>>
      %dma_wait3A_143 = tpu.memref_slice %arg3[%add3A_117] : memref<819200xi32, #tpu.memory_space<hbm>> -> memref<512xi32, #tpu.memory_space<hbm>>
      tpu.wait_dma2 semaphore(%arg9 : memref<!tpu.dma_semaphore, #tpu.memory_space<semaphore_mem>>) src(%dma_wait3A_143 : memref<512xi32, #tpu.memory_space<hbm>>) dst(%arg5 : memref<512xi32, #tpu.memory_space<vmem>>)
      %dma_wait3A_144 = tpu.memref_slice %arg3[%add3A_139] : memref<819200xi32, #tpu.memory_space<hbm>> -> memref<512xi32, #tpu.memory_space<hbm>>
      %dma_wait3A_145 = tpu.memref_slice %arg3[%add3A_139] : memref<819200xi32, #tpu.memory_space<hbm>> -> memref<512xi32, #tpu.memory_space<hbm>>
      tpu.wait_dma2 semaphore(%arg10 : memref<!tpu.dma_semaphore, #tpu.memory_space<semaphore_mem>>) src(%dma_wait3A_145 : memref<512xi32, #tpu.memory_space<hbm>>) dst(%arg6 : memref<512xi32, #tpu.memory_space<vmem>>)
      %dma_wait3A_146 = arith.constant 0 : i32
      %dma_wait3A_147 = tpu.memref_slice %arg4[%add3A_108, %dma_wait3A_146] : memref<819200x64xf32, #tpu.memory_space<hbm>> -> memref<512x64xf32, #tpu.memory_space<hbm>>
      %dma_wait3A_148 = arith.constant 0 : i32
      %dma_wait3A_149 = tpu.memref_slice %arg4[%add3A_108, %dma_wait3A_148] : memref<819200x64xf32, #tpu.memory_space<hbm>> -> memref<512x64xf32, #tpu.memory_space<hbm>>
      tpu.wait_dma2 semaphore(%arg13 : memref<!tpu.dma_semaphore, #tpu.memory_space<semaphore_mem>>) src(%arg7 : memref<512x64xf32, #tpu.memory_space<vmem>>) dst(%dma_wait3A_149 : memref<512x64xf32, #tpu.memory_space<hbm>>)
    }
    %scan3A_46 = arith.constant 23 : i32
    %dma_start3A_47 = arith.constant 0 : i32
    %dma_start3A_48 = arith.constant 0 : i32
    %dma_start3A_49 = tpu.memref_slice %arg2[%dma_start3A_47, %dma_start3A_48] : memref<1000000x64xf32, #tpu.memory_space<hbm>> -> memref<1000000x64xf32, #tpu.memory_space<hbm>>
    tpu.enqueue_indirect_dma source(%dma_start3A_49 : memref<1000000x64xf32, #tpu.memory_space<hbm>>) target(%arg7 : memref<512x64xf32, #tpu.memory_space<vmem>>) offsets(%arg5 : memref<512xi32, #tpu.memory_space<vmem>>) semaphore(%arg11 : memref<!tpu.dma_semaphore, #tpu.memory_space<semaphore_mem>>)
    %add3A_50 = arith.constant 24064 : i32
    %add3A_51 = arith.addi %mul3A_2, %add3A_50 : i32
    %dma_wait3A_52 = arith.constant 0 : i32
    %dma_wait3A_53 = tpu.memref_slice %arg4[%add3A_51, %dma_wait3A_52] : memref<819200x64xf32, #tpu.memory_space<hbm>> -> memref<512x64xf32, #tpu.memory_space<hbm>>
    %dma_wait3A_54 = arith.constant 0 : i32
    %dma_wait3A_55 = tpu.memref_slice %arg4[%add3A_51, %dma_wait3A_54] : memref<819200x64xf32, #tpu.memory_space<hbm>> -> memref<512x64xf32, #tpu.memory_space<hbm>>
    tpu.wait_dma2 semaphore(%arg14 : memref<!tpu.dma_semaphore, #tpu.memory_space<semaphore_mem>>) src(%arg8 : memref<512x64xf32, #tpu.memory_space<vmem>>) dst(%dma_wait3A_55 : memref<512x64xf32, #tpu.memory_space<hbm>>)
    %dma_wait3A_56 = arith.constant 0 : i32
    %dma_wait3A_57 = arith.constant 0 : i32
    %dma_wait3A_58 = tpu.memref_slice %arg2[%dma_wait3A_56, %dma_wait3A_57] : memref<1000000x64xf32, #tpu.memory_space<hbm>> -> memref<1000000x64xf32, #tpu.memory_space<hbm>>
    tpu.wait_indirect_dma semaphore(%arg11 : memref<!tpu.dma_semaphore, #tpu.memory_space<semaphore_mem>>) src(%dma_wait3A_58 : memref<1000000x64xf32, #tpu.memory_space<hbm>>) dst(%arg7 : memref<512x64xf32, #tpu.memory_space<vmem>>)
    %add3A_59 = arith.constant 24576 : i32
    %add3A_60 = arith.addi %mul3A_2, %add3A_59 : i32
    %dma_start3A_61 = arith.constant 0 : i32
    %dma_start3A_62 = tpu.memref_slice %arg4[%add3A_60, %dma_start3A_61] : memref<819200x64xf32, #tpu.memory_space<hbm>> -> memref<512x64xf32, #tpu.memory_space<hbm>>
    %dma_start3A_63 = arith.constant 0 : i32
    %dma_start3A_64 = tpu.memref_slice %arg4[%add3A_60, %dma_start3A_63] : memref<819200x64xf32, #tpu.memory_space<hbm>> -> memref<512x64xf32, #tpu.memory_space<hbm>>
    tpu.enqueue_dma source(%arg7 : memref<512x64xf32, #tpu.memory_space<vmem>>) target(%dma_start3A_64 : memref<512x64xf32, #tpu.memory_space<hbm>>) target_semaphore(%arg13 : memref<!tpu.dma_semaphore, #tpu.memory_space<semaphore_mem>>)
    %dma_start3A_65 = arith.constant 0 : i32
    %dma_start3A_66 = arith.constant 0 : i32
    %dma_start3A_67 = tpu.memref_slice %arg2[%dma_start3A_65, %dma_start3A_66] : memref<1000000x64xf32, #tpu.memory_space<hbm>> -> memref<1000000x64xf32, #tpu.memory_space<hbm>>
    tpu.enqueue_indirect_dma source(%dma_start3A_67 : memref<1000000x64xf32, #tpu.memory_space<hbm>>) target(%arg8 : memref<512x64xf32, #tpu.memory_space<vmem>>) offsets(%arg6 : memref<512xi32, #tpu.memory_space<vmem>>) semaphore(%arg12 : memref<!tpu.dma_semaphore, #tpu.memory_space<semaphore_mem>>)
    %dma_wait3A_68 = arith.constant 0 : i32
    %dma_wait3A_69 = arith.constant 0 : i32
    %dma_wait3A_70 = tpu.memref_slice %arg2[%dma_wait3A_68, %dma_wait3A_69] : memref<1000000x64xf32, #tpu.memory_space<hbm>> -> memref<1000000x64xf32, #tpu.memory_space<hbm>>
    tpu.wait_indirect_dma semaphore(%arg12 : memref<!tpu.dma_semaphore, #tpu.memory_space<semaphore_mem>>) src(%dma_wait3A_70 : memref<1000000x64xf32, #tpu.memory_space<hbm>>) dst(%arg8 : memref<512x64xf32, #tpu.memory_space<vmem>>)
    %add3A_71 = arith.constant 25088 : i32
    %add3A_72 = arith.addi %mul3A_2, %add3A_71 : i32
    %dma_start3A_73 = arith.constant 0 : i32
    %dma_start3A_74 = tpu.memref_slice %arg4[%add3A_72, %dma_start3A_73] : memref<819200x64xf32, #tpu.memory_space<hbm>> -> memref<512x64xf32, #tpu.memory_space<hbm>>
    %dma_start3A_75 = arith.constant 0 : i32
    %dma_start3A_76 = tpu.memref_slice %arg4[%add3A_72, %dma_start3A_75] : memref<819200x64xf32, #tpu.memory_space<hbm>> -> memref<512x64xf32, #tpu.memory_space<hbm>>
    tpu.enqueue_dma source(%arg8 : memref<512x64xf32, #tpu.memory_space<vmem>>) target(%dma_start3A_76 : memref<512x64xf32, #tpu.memory_space<hbm>>) target_semaphore(%arg14 : memref<!tpu.dma_semaphore, #tpu.memory_space<semaphore_mem>>)
    %dma_wait3A_77 = arith.constant 0 : i32
    %dma_wait3A_78 = tpu.memref_slice %arg4[%add3A_60, %dma_wait3A_77] : memref<819200x64xf32, #tpu.memory_space<hbm>> -> memref<512x64xf32, #tpu.memory_space<hbm>>
    %dma_wait3A_79 = arith.constant 0 : i32
    %dma_wait3A_80 = tpu.memref_slice %arg4[%add3A_60, %dma_wait3A_79] : memref<819200x64xf32, #tpu.memory_space<hbm>> -> memref<512x64xf32, #tpu.memory_space<hbm>>
    tpu.wait_dma2 semaphore(%arg13 : memref<!tpu.dma_semaphore, #tpu.memory_space<semaphore_mem>>) src(%arg7 : memref<512x64xf32, #tpu.memory_space<vmem>>) dst(%dma_wait3A_80 : memref<512x64xf32, #tpu.memory_space<hbm>>)
    %dma_wait3A_81 = arith.constant 0 : i32
    %dma_wait3A_82 = tpu.memref_slice %arg4[%add3A_72, %dma_wait3A_81] : memref<819200x64xf32, #tpu.memory_space<hbm>> -> memref<512x64xf32, #tpu.memory_space<hbm>>
    %dma_wait3A_83 = arith.constant 0 : i32
    %dma_wait3A_84 = tpu.memref_slice %arg4[%add3A_72, %dma_wait3A_83] : memref<819200x64xf32, #tpu.memory_space<hbm>> -> memref<512x64xf32, #tpu.memory_space<hbm>>
    tpu.wait_dma2 semaphore(%arg14 : memref<!tpu.dma_semaphore, #tpu.memory_space<semaphore_mem>>) src(%arg8 : memref<512x64xf32, #tpu.memory_space<vmem>>) dst(%dma_wait3A_84 : memref<512x64xf32, #tpu.memory_space<hbm>>)
    return
  }
}

</mosaic_0001>

<sc_bundles>
// kernel: kernel.3.cloned.1.call-start
scs
__scs_entry_jumppad:
0x0: {  	(pc) =	sbr.rel $0x88, $3  }
0x1: {  	(tag) =	ssettag $0x0;
	lr =	simm.s32 $0x1  }
0x2: {  	[smem:$0x3F9F] =	sst lr;
	_ =	strace $0xD0000000  }
0x3: {  	_ = 	snop  }
0x4: {  	_ = 	snop  }
0x5: {  	_ = 	snop  }
0x6: {  	_ = 	snop  }
0x7: {  	_ = 	snop  }
__scs_overlays_trampoline_lowered:
0x8: {  	[smem:$0x3FAE] =	sst s0  }
0x9: {  	[smem:$0x3FAF] =	sst s1  }
0xa: {  	[smem:$0x3FB0] =	sst s2  }
0xb: {  	[smem:$0x3FB1] =	sst s3  }
0xc: {  	[smem:$0x3FB2] =	sst s4  }
0xd: {  	[smem:$0x3FB3] =	sst s5  }
0xe: {  	[smem:$0x3FB4] =	sst s6  }
0xf: {  	[smem:$0x3FB5] =	sst s7  }
0x10: {  	[smem:$0x3FB6] =	sst s8  }
0x11: {  	[smem:$0x3FB7] =	sst s9;
	s0 =	simm.s32 @!p0 $0x0  }
0x12: {  	s1 =	sld [smem:$0x3F9D];
	s0 =	simm.s32 @p0 $0x1  }
0x13: {  	[smem:$0x3FB8] =	sst s0;
	s0 =	simm.s32 @!p1 $0x0  }
0x14: {  	s2 =	sld [smem:$0x3F9C];
	s0 =	simm.s32 @p1 $0x1  }
0x15: {  	[smem:$0x3FB9] =	sst s0;
	s0 =	simm.s32 @!p2 $0x0  }
0x16: {  	s3 =	sld [smem:$0x3FDB];
	s0 =	simm.s32 @p2 $0x1  }
0x17: {  	s4 =	simm.s32 $0x1BF5;
	[smem:$0x3FBB] =	sst s0  }
0x18: {  	s0 =	sld [smem:$0x3F9E];
	_ =	swait.ge [sflag:s4], $0x0  }
0x19: {  	s7 =	sld [smem:$0x3F9F]  }
0x1a: {  	s8 =	sadd.s32 $0xFFFFE003, lr  }
0x1b: {  	s9 =	sadd.s32 $0xFFFFFEF7, lr;
	s5 =	simm.s32 $0xFFFFFFFF;
	p2 =	slt.u32 s8, $0xFFFFF086  }
0x1c: {  	p1 =	slt.u32 s9, $0xF7A;
	s5 =	simm.s32 @!p2 $0x0  }
0x1d: {  	s5 =	simm.s32 @p1 $0x1;
	p0 =	seq.s32 s7, s2  }
0x1e: {  	s7 =	smul.u32 @!p0 $0xF7A, s2;
	p2 =	seq.s32 @!p0 s5, $0x0  }
0x1f: {  	s9 =	smul.u32 $0xF7A, s1;
	s8 =	simm.s32 @!p0 $0x1BF5;
	p2 =	por !p2, p0  }
0x20: {  	[sflag:s8] =	ssyncset.s32 @!p0 $0xFFFFF086;
	s6 =	sadd.s32 @!p0 s3, s7;
	s7 =	simm.s32 @!p0 $0x108  }
0x21: {  	s3 =	sadd.s32 s3, s9;
	s6 =	sadd.s32 @!p0 $0x88, s6;
	s7 =	simm.s32 @p2 $0x1082  }
0x22: {  	[simem:s7], [sflag:s8] =	dma.local @!p0 [hbm:s6], $0xF7A  }
0x23: {  	s9 =	sor.u32 $0xD0000000, s2;
	s6 =	simm.s32 $0x108;
	_ =	swait.ge @!p0 [sflag:s8], $0x0  }
0x24: {  	s3 =	sadd.s32 $0x88, s3;
	s6 =	simm.s32 @!p1 $0x1082;
	[sflag:s4] =	ssyncset.s32 $0xFFFFF086  }
0x25: {  	[simem:s6], [sflag:s4] =	dma.local [hbm:s3], $0xF7A  }
0x26: {  	[smem:$0x3F9F] =	sst s1;
	(tag) =	ssettag s2;
	_ =	strace s9  }
0x27: {  	s1 =	sld [smem:$0x3FAF]  }
0x28: {  	s2 =	sld [smem:$0x3FB0]  }
0x29: {  	s4 =	sld [smem:$0x3FB2]  }
0x2a: {  	p0 =	seq.s32 s5, $0x0;
	s5 =	sld [smem:$0x3FB3]  }
0x2b: {  	s6 =	sld [smem:$0x3FB4]  }
0x2c: {  	s7 =	sld [smem:$0x3FB5]  }
0x2d: {  	s3 =	simm.s32 $0x108;
	s8 =	sld [smem:$0x3FB6]  }
0x2e: {  	s3 =	simm.s32 @!p0 $0x1082;
	s9 =	sld [smem:$0x3FB7]  }
0x2f: {  	lr =	sadd.s32 s0, s3;
	s0 =	sld [smem:$0x3FAE]  }
0x30: {  	s3 =	sld [smem:$0x3FB1]  }
0x31: {  	[smem:$0x3FBA] =	sst s10  }
0x32: {  	s10 =	sld [smem:$0x3FB8];
	_ =	sdelay $0x3  }
0x33: {  	p0 =	seq.s32 s10, $0x1;
	s10 =	sld [smem:$0x3FBA];
	_ =	sdelay $0x3  }
0x34: {  	[smem:$0x3FBA] =	sst s10  }
0x35: {  	s10 =	sld [smem:$0x3FB9];
	_ =	sdelay $0x3  }
0x36: {  	p1 =	seq.s32 s10, $0x1;
	s10 =	sld [smem:$0x3FBA];
	_ =	sdelay $0x3  }
0x37: {  	[smem:$0x3FBA] =	sst s10  }
0x38: {  	s10 =	sld [smem:$0x3FBB]  }
0x39: {  	_ = 	snop;
	(pc) =	sbr.ind lr, $3  }
0x3a: {  	_ = 	snop  }
0x3b: {  	_ = 	snop  }
0x3c: {  	p2 =	seq.s32 s10, $0x1;
	s10 =	sld [smem:$0x3FBA]  }
0x3d: {  	_ =	shalt  }
0x3e: {  	_ =	shalt  }
0x3f: {  	_ =	shalt  }
0x40: {  	_ =	shalt  }
0x41: {  	_ =	shalt  }
0x42: {  	_ =	shalt  }
0x43: {  	_ =	shalt  }
0x44: {  	_ =	shalt  }
0x45: {  	_ =	shalt  }
0x46: {  	_ =	shalt  }
0x47: {  	_ =	shalt  }
0x48: {  	_ =	shalt  }
0x49: {  	_ =	shalt  }
0x4a: {  	_ =	shalt  }
0x4b: {  	_ =	shalt  }
0x4c: {  	_ =	shalt  }
0x4d: {  	_ =	shalt  }
0x4e: {  	_ =	shalt  }
0x4f: {  	_ =	shalt  }
0x50: {  	_ =	shalt  }
0x51: {  	_ =	shalt  }
0x52: {  	_ =	shalt  }
0x53: {  	_ =	shalt  }
0x54: {  	_ =	shalt  }
0x55: {  	_ =	shalt  }
0x56: {  	_ =	shalt  }
0x57: {  	_ =	shalt  }
0x58: {  	_ =	shalt  }
0x59: {  	_ =	shalt  }
0x5a: {  	_ =	shalt  }
0x5b: {  	_ =	shalt  }
0x5c: {  	_ =	shalt  }
0x5d: {  	_ =	shalt  }
0x5e: {  	_ =	shalt  }
0x5f: {  	_ =	shalt  }
0x60: {  	_ =	shalt  }
0x61: {  	_ =	shalt  }
0x62: {  	_ =	shalt  }
0x63: {  	_ =	shalt  }
0x64: {  	_ =	shalt  }
0x65: {  	_ =	shalt  }
0x66: {  	_ =	shalt  }
0x67: {  	_ =	shalt  }
0x68: {  	_ =	shalt  }
0x69: {  	_ =	shalt  }
0x6a: {  	_ =	shalt  }
0x6b: {  	_ =	shalt  }
0x6c: {  	_ =	shalt  }
0x6d: {  	_ =	shalt  }
0x6e: {  	_ =	shalt  }
0x6f: {  	_ =	shalt  }
0x70: {  	_ =	shalt  }
0x71: {  	_ =	shalt  }
0x72: {  	_ =	shalt  }
0x73: {  	_ =	shalt  }
0x74: {  	_ =	shalt  }
0x75: {  	_ =	shalt  }
0x76: {  	_ =	shalt  }
0x77: {  	_ =	shalt  }
0x78: {  	_ =	shalt  }
0x79: {  	_ =	shalt  }
0x7a: {  	_ =	shalt  }
0x7b: {  	_ =	shalt  }
0x7c: {  	_ =	shalt  }
0x7d: {  	_ =	shalt  }
0x7e: {  	_ =	shalt  }
0x7f: {  	_ =	shalt  }
0x80: {  	_ =	shalt  }
0x81: {  	_ =	shalt  }
0x82: {  	_ =	shalt  }
0x83: {  	_ =	shalt  }
0x84: {  	_ =	shalt  }
0x85: {  	_ =	shalt  }
0x86: {  	_ =	shalt  }
0x87: {  	_ =	shalt  }
.Lfunc_end0:
.L_simem_size_0:
called_computation.1_lowered:
.L_overlay_start_0:
0x88: {  	s2 =	sld [smem:$0x3FD9]  }
0x89: {  	s3 =	sld [smem:$0x3FFE];
	_ =	sdelay $0x1  }
0x8a: {  	s1 =	srdreg.scid  }
0x8b: {  	s0 =	sand.u32 $0x1, s1  }
0x8c: {  	s17 =	sshll.u32 s0, $0xA;
	s2 =	sadd.s32 s3, s2  }
0x8d: {  	s2 =	sadd.s32 s2, s17  }
0x8e: {  	[smem:$0x3FC6] =	sst s2  }
0x8f: {  	_ = 	snop  }
0x90: {  	s2 =	sld [smem:$0x3FD0];
	(tm) =	ssettm $0x1  }
0x91: {  	s18 =	sld [smem:$0x3FFB];
	_ =	sdelay $0x3  }
0x92: {  	_ =	strace s18  }
0x93: {  	s3 =	sld [smem:$0x3FFC];
	_ =	sdelay $0x3  }
0x94: {  	_ =	strace s3  }
0x95: {  	s3 =	sld [smem:$0x3FFD];
	_ =	sdelay $0x3  }
0x96: {  	_ =	strace s3  }
0x97: {  	_ =	strace $0x8FFFFFFF  }
0x98: {  	s19 =	sld [smem:$0x3FDB];
	_ =	sdelay $0x1  }
0x99: {  	s4 =	simm.s32 $_scs_section_size  }
0x9a: {  	s5 =	simm.s32 $_size__tile_overlayer_lowered;
	s6 =	simm.s32 $_tile_overlayer_lowered  }
0x9b: {  	s22 =	simm.s32 $0x1BFF;
	s21 =	sshll.u32 s6, $0x1;
	s3 =	sadd.s32 s4, s19  }
0x9c: {  	s7 =	simm.s32 $0x0;
	s20 =	sshll.u32 s5, $0x1;
	s5 =	sadd.s32 s21, s3  }
0x9d: {  	[timem:s7], [sflag:s22] =	dma.local [hbm:s5], s20  }
0x9e: {  	_ =	swait.ge [sflag:s22], s20  }
0x9f: {  	s4 =	ssub.s32 $0x0, s20;
	[sflag:s22] =	ssyncset.done $0x0  }
0xa0: {  	[sflag:s22] =	ssyncadd.s32 s4;
	_ =	sdelay $0x1  }
0xa1: {  	s23 =	simm.s32 $0x1B8B  }
0xa2: {  	_ =	swait.ge [sflag:s23], $0x1  }
0xa3: {  	[sflag:s23] =	ssyncset.done $0x0  }
0xa4: {  	s25 =	simm.s32 $0x1B8E;
	s24 =	sld [smem:$0x3FFE];
	[sflag:s23] =	ssyncadd.s32 $0xFFFFFFFF  }
0xa5: {  	s26 =	simm.s32 $execute0_lowered;
	[smem:$0x3FD2] =	sst s25  }
0xa6: {  	s5 =	sshll.u32 s26, $0x1;
	_ =	strace $0x80000046;
	[dreg:$0x1] =	wrdreg $0xFFFFFFFF  }
0xa7: {  	s28 =	simm.s32 $_size_execute0_lowered;
	s3 =	sadd.s32 s3, s5;
	[dreg:$0x0] =	wrdreg $0x0  }
0xa8: {  	s5 =	sshll.u32 s28, $0x1;
	[dreg:$0x2] =	wrdreg s3  }
0xa9: {  	[dreg:$0x3] =	wrdreg s5  }
0xaa: {  	[dreg:$0x4] =	wrdreg $0xC0  }
0xab: {  	_ =	task [dreg:s7], $0x5FFFF  }
0xac: {  	[dreg:$0x1] =	wrdreg $0xFFFFFFFF  }
0xad: {  	[dreg:$0x0] =	wrdreg $0x60  }
0xae: {  	[dreg:$0x2] =	wrdreg s24  }
0xaf: {  	[dreg:$0x3] =	wrdreg s2  }
0xb0: {  	[dreg:$0x4] =	wrdreg $0x9  }
0xb1: {  	_ =	task.clear_ibuf [dreg:s7], $0x5FFFF;
	_ =	strace $0x90000046  }
0xb2: {  	s29 =	simm.s32 $0x9;
	_ =	strace $0x80000048  }
0xb3: {  	_ =	swait.ge [sflag:s29], $0x1  }
0xb4: {  	[sflag:s29] =	ssyncadd.s32 $0xFFFFFFFF  }
0xb5: {  	_ =	strace $0x90000048  }
0xb6: {  	_ =	sfence  }
0xb7: {  	s30 =	sld [smem:$0x0];
	_ =	sdelay $0x2  }
0xb8: {  	s31 =	sshll.u32 s1, $0xD;
	s1 =	sshrl.u32 s1, $0x2  }
0xb9: {  	s3 =	sand.u32 $0x4000, s31;
	s1 =	sadd.s32 s1, s30  }
0xba: {  	s0 =	sor.u32 s3, s0;
	s1 =	sshll.u32 s1, $0x11  }
0xbb: {  	s0 =	sor.u32 s1, s0  }
0xbc: {  	s0 =	sadd.s32 $0x8F2B, s0  }
0xbd: {  	[sflag:s0] =	ssyncadd.remote.s32 $0x1  }
0xbe: {  	_ =	sfence.sel $0xFFFF  }
0xbf: {  	[dreg:$0x0] =	wrdreg $0xFFFFFFFF;
	(pc) =	sbr.abs _section_cstart, $3  }
0xc0: {  	[dreg:$0x1] =	wrdreg $0xFFFFFFFF  }
0xc1: {  	_ =	task.clear_ibuf [dreg:s7], $0x2FFFF;
	_ =	strace $0x9FFFFFFF  }
0xc2: {  	(tm) =	ssettm $0x7FFFFFFF  }
0xc3: {  	_ =	shalt  }
tec
execute0_lowered:
.L_overlay_start_1:
0x0: {  	(tag) =	ssettag $0x1  }
0x1: {  	s0 =	rddreg [dreg:$0x0]  }
0x2: {  	s2 =	rddreg [dreg:$0x1]  }
0x3: {  	s4 =	srdreg.scid;
	s1 =	stileid.u32  }
0x4: {  	s3 =	simm.s32 $0x0;
	s19 =	simm.s32 $0x200;
	s14 =	smul.u32 $0x320000, s1  }
0x5: {  	s28 =	simm.s32 $0x6;
	s10 =	sand.u32 $0x1, s4;
	s17 =	smul.u32 $0xC800, s1  }
0x6: {  	s29 =	simm.s32 $0x0;
	s20 =	sshll.u32 s1, $0x1;
	s15 =	smul.u32 $0x190000, s10  }
0x7: {  	[smem:$0x7FF] =	sst s3;
	s5 =	sor.u32 s10, s20;
	s18 =	smul.u32 $0x6400, s10  }
0x8: {  	s4 =	sadd.s32 $0xF42E00, s0;
	s16 =	sadd.s32 $0xA00, s0;
	s7 =	smul.u32 $0x6400, s5  }
0x9: {  	_ =	strace $0x80000047;
	s6 =	ssub.s32 $0x2, s10;
	s8 =	smul.u32 $0x32000, s5  }
0xa: {  	s20 =	simm.s32 $0x400;
	s21 =	sshrl.u32 s6, $0x1;
	s11 =	smul.u32 $0x190000, s5  }
0xb: {  	s0 =	ssub.s32 s6, s21;
	s25 =	sadd.s32 s15, s14;
	s26 =	sadd.s32 s18, s17  }
0xc: {  	s21 =	simm.s32 $0x3;
	s9 =	sor.u32 $0x200, s7;
	s22 =	sshrl.u32 s7, $0x3  }
0xd: {  	s7 =	sadd.s32 s2, s8;
	s11 =	sshrl.u32 s11, $0x3;
	s13 =	smax.u32 s0, $0x1  }
0xe: {  	s14 =	sadd.s32 $0x10000, s25;
	s30 =	sadd.s32 $0xA00, s26;
	s17 =	sshll.u32 s26, $0x3  }
0xf: {  	s18 =	sadd.s32 $0x800, s26;
	s25 =	simm.s32 $0x2;
	s26 =	simm.s32 $0x5  }
0x10: {  	s23 =	sshrl.u32 s9, $0x3;
	s5 =	sadd.s32 s16, s22;
	s9 =	sshll.u32 s9, $0x3  }
0x11: {  	s12 =	sadd.s32 s2, s11;
	s0 =	sshrl.u32 s30, $0x3;
	s17 =	sadd.s32 s2, s17  }
0x12: {  	s31 =	sshrl.u32 s18, $0x3;
	s18 =	simm.s32 $0x7;
	s22 =	simm.s32 $0x8400  }
0x13: {  	s24 =	sadd.s32 s16, s23;
	s8 =	sadd.s32 $0x80, s5;
	s9 =	sadd.s32 s2, s9  }
0x14: {  	s10 =	sadd.s32 $0xC0, s5;
	s11 =	sadd.s32 $0x30000, s12;
	s12 =	sadd.s32 $0x31000, s12  }
0x15: {  	s15 =	sadd.s32 s0, s16;
	s0 =	sadd.s32 $0x3000, s17;
	s17 =	sadd.s32 s31, s16  }
0x16: {  	s23 =	simm.s32 $0x4;
	[dreg:$0x3] =	wrdreg s24;
	s24 =	simm.s32 $0x1  }
.LBB2_1:
0x17: {  	[tilespmem:s3], [sflag:$0x7] =	stream.linear.gather [hbm4b:s5+s3], $0x200, $0x38;
	[tilespmem:$0x10400] =	vst v63  }
0x18: {  	_ =	swait.ge [sflag:s18], $0x200  }
0x19: {  	[sflag:s18] =	ssyncset.done $0x0  }
0x1a: {  	s1 =	rddreg [dreg:$0x3];
	[sflag:s18] =	ssyncadd.s32 $0xFFFFFE00  }
0x1b: {  	[tilespmem:s19], [sflag:$0x7] =	stream.linear.gather [hbm4b:s1+s3], $0x200, $0x38;
	[tilespmem:$0x10400] =	vst v63  }
0x1c: {  	_ =	swait.ge [sflag:s18], $0x200  }
0x1d: {  	[sflag:s18] =	ssyncset.done $0x0  }
0x1e: {  	[sflag:s18] =	ssyncadd.s32 $0xFFFFFE00  }
0x1f: {  	[tilespmem:s20], [sflag:$0x3] =	stream.indirect.gather [hbm4b:s4+s19], $0x40, s3, s19, $0xb8;
	[tilespmem:$0x10400] =	vst v63  }
0x20: {  	_ =	swait.ge [sflag:s21], $0x8000  }
0x21: {  	[sflag:s21] =	ssyncset.done $0x0  }
0x22: {  	[sflag:s21] =	ssyncadd.s32 $0xFFFF8000  }
0x23: {  	[hbm4b:s7+s3] =	stream.linear.scatter [tilespmem:s20], [sflag:$0x5], $0x8000, $0x38;
	[tilespmem:$0x10400] =	vst v63  }
0x24: {  	_ = 	snop  }
0x25: {  	[tilespmem:s3], [sflag:$0x1] =	stream.linear.gather [hbm4b:s8+s3], $0x200, $0x38;
	[tilespmem:$0x10400] =	vst v63  }
0x26: {  	_ = 	snop  }
0x27: {  	[tilespmem:s22], [sflag:$0x4] =	stream.indirect.gather [hbm4b:s4+s19], $0x40, s19, s19, $0xb8;
	[tilespmem:$0x10400] =	vst v63  }
0x28: {  	_ =	swait.ge [sflag:s23], $0x8000  }
0x29: {  	[sflag:s23] =	ssyncset.done $0x0  }
0x2a: {  	[sflag:s23] =	ssyncadd.s32 $0xFFFF8000  }
0x2b: {  	[hbm4b:s9+s3] =	stream.linear.scatter [tilespmem:s22], [sflag:$0x6], $0x8000, $0x38;
	[tilespmem:$0x10400] =	vst v63  }
0x2c: {  	_ = 	snop  }
0x2d: {  	[tilespmem:s19], [sflag:$0x2] =	stream.linear.gather [hbm4b:s10+s3], $0x200, $0x38;
	[tilespmem:$0x10400] =	vst v63  }
0x2e: {  	_ =	swait.ge [sflag:s24], $0x200  }
0x2f: {  	[sflag:s24] =	ssyncset.done $0x0  }
0x30: {  	[sflag:s24] =	ssyncadd.s32 $0xFFFFFE00  }
0x31: {  	_ =	swait.ge [sflag:s25], $0x200  }
0x32: {  	[sflag:s25] =	ssyncset.done $0x0  }
0x33: {  	[sflag:s25] =	ssyncadd.s32 $0xFFFFFE00  }
0x34: {  	_ =	swait.ge [sflag:s26], $0x8000  }
0x35: {  	[sflag:s26] =	ssyncset.done $0x0  }
0x36: {  	[sflag:s26] =	ssyncadd.s32 $0xFFFF8000  }
0x37: {  	[tilespmem:s20], [sflag:$0x3] =	stream.indirect.gather [hbm4b:s4+s19], $0x40, s3, s19, $0xb8;
	[tilespmem:$0x10400] =	vst v63  }
0x38: {  	_ =	swait.ge [sflag:s28], $0x8000  }
0x39: {  	[sflag:s28] =	ssyncset.done $0x0  }
0x3a: {  	[sflag:s28] =	ssyncadd.s32 $0xFFFF8000  }
0x3b: {  	_ =	swait.ge [sflag:s21], $0x8000  }
0x3c: {  	s16 =	sshrl.u32 s14, $0x3;
	[sflag:s21] =	ssyncset.done $0x0  }
0x3d: {  	s16 =	sadd.s32 s2, s16;
	[sflag:s21] =	ssyncadd.s32 $0xFFFF8000  }
0x3e: {  	[hbm4b:s16+s3] =	stream.linear.scatter [tilespmem:s20], [sflag:$0x5], $0x8000, $0x38;
	[tilespmem:$0x10400] =	vst v63  }
0x3f: {  	s1 =	sadd.s32 $0x0, s17  }
0x40: {  	[tilespmem:s3], [sflag:$0x1] =	stream.linear.gather [hbm4b:s1+s3], $0x200, $0x38;
	[tilespmem:$0x10400] =	vst v63  }
0x41: {  	_ = 	snop  }
0x42: {  	[tilespmem:s22], [sflag:$0x4] =	stream.indirect.gather [hbm4b:s4+s19], $0x40, s19, s19, $0xb8;
	[tilespmem:$0x10400] =	vst v63  }
0x43: {  	_ =	swait.ge [sflag:s23], $0x8000  }
0x44: {  	[sflag:s23] =	ssyncset.done $0x0  }
0x45: {  	[sflag:s23] =	ssyncadd.s32 $0xFFFF8000  }
0x46: {  	[hbm4b:s0+s3] =	stream.linear.scatter [tilespmem:s22], [sflag:$0x6], $0x8000, $0x38;
	[tilespmem:$0x10400] =	vst v63  }
0x47: {  	s6 =	sadd.s32 $0x0, s15  }
0x48: {  	[tilespmem:s19], [sflag:$0x2] =	stream.linear.gather [hbm4b:s6+s3], $0x200, $0x38;
	[tilespmem:$0x10400] =	vst v63  }
0x49: {  	_ =	swait.ge [sflag:s24], $0x200  }
0x4a: {  	[sflag:s24] =	ssyncset.done $0x0  }
0x4b: {  	[sflag:s24] =	ssyncadd.s32 $0xFFFFFE00  }
0x4c: {  	_ =	swait.ge [sflag:s25], $0x200  }
0x4d: {  	[sflag:s25] =	ssyncset.done $0x0  }
0x4e: {  	[sflag:s25] =	ssyncadd.s32 $0xFFFFFE00  }
0x4f: {  	s30 =	simm.s32 $0x80;
	_ =	swait.ge [sflag:s26], $0x8000  }
0x50: {  	s31 =	smov.u32 s14;
	s16 =	smov.u32 s0;
	[sflag:s26] =	ssyncset.done $0x0  }
.LBB2_2:
0x51: {  	[sflag:s26] =	ssyncadd.s32 $0xFFFF8000  }
0x52: {  	s31 =	sadd.s32 $0x10000, s31;
	s16 =	sadd.s32 $0x2000, s16;
	s1 =	smov.u32 s30  }
0x53: {  	[tilespmem:s20], [sflag:$0x3] =	stream.indirect.gather [hbm4b:s4+s19], $0x40, s3, s19, $0xb8;
	[tilespmem:$0x10400] =	vst v63  }
0x54: {  	p0 =	sne.s32 s30, $0xB00;
	s30 =	sadd.s32 $0x80, s30;
	_ =	swait.ge [sflag:s28], $0x8000  }
0x55: {  	[sflag:s28] =	ssyncset.done $0x0  }
0x56: {  	[sflag:s28] =	ssyncadd.s32 $0xFFFF8000  }
0x57: {  	_ =	swait.ge [sflag:s21], $0x8000  }
0x58: {  	s6 =	sshrl.u32 s31, $0x3;
	[sflag:s21] =	ssyncset.done $0x0  }
0x59: {  	s6 =	sadd.s32 s2, s6;
	[sflag:s21] =	ssyncadd.s32 $0xFFFF8000  }
0x5a: {  	[hbm4b:s6+s3] =	stream.linear.scatter [tilespmem:s20], [sflag:$0x5], $0x8000, $0x38;
	[tilespmem:$0x10400] =	vst v63  }
0x5b: {  	s6 =	sadd.s32 s1, s17  }
0x5c: {  	[tilespmem:s3], [sflag:$0x1] =	stream.linear.gather [hbm4b:s6+s3], $0x200, $0x38;
	[tilespmem:$0x10400] =	vst v63  }
0x5d: {  	_ = 	snop  }
0x5e: {  	[tilespmem:s22], [sflag:$0x4] =	stream.indirect.gather [hbm4b:s4+s19], $0x40, s19, s19, $0xb8;
	[tilespmem:$0x10400] =	vst v63  }
0x5f: {  	_ =	swait.ge [sflag:s23], $0x8000  }
0x60: {  	[sflag:s23] =	ssyncset.done $0x0  }
0x61: {  	[sflag:s23] =	ssyncadd.s32 $0xFFFF8000  }
0x62: {  	[hbm4b:s16+s3] =	stream.linear.scatter [tilespmem:s22], [sflag:$0x6], $0x8000, $0x38;
	[tilespmem:$0x10400] =	vst v63  }
0x63: {  	s1 =	sadd.s32 s1, s15  }
0x64: {  	[tilespmem:s19], [sflag:$0x2] =	stream.linear.gather [hbm4b:s1+s3], $0x200, $0x38;
	[tilespmem:$0x10400] =	vst v63  }
0x65: {  	_ =	swait.ge [sflag:s24], $0x200  }
0x66: {  	[sflag:s24] =	ssyncset.done $0x0  }
0x67: {  	[sflag:s24] =	ssyncadd.s32 $0xFFFFFE00  }
.Ltmp0:
0x68: {  	_ =	swait.ge [sflag:s25], $0x200;
	(pc) =	sbr.rel @p0 .LBB2_2-.Ltmp0, $4  }
0x69: {  	[sflag:s25] =	ssyncset.done $0x0  }
0x6a: {  	[sflag:s25] =	ssyncadd.s32 $0xFFFFFE00  }
0x6b: {  	_ =	swait.ge [sflag:s26], $0x8000  }
0x6c: {  	[sflag:s26] =	ssyncset.done $0x0  }
0x6d: {  	[sflag:s26] =	ssyncadd.s32 $0xFFFF8000  }
0x6e: {  	[tilespmem:s20], [sflag:$0x3] =	stream.indirect.gather [hbm4b:s4+s19], $0x40, s3, s19, $0xb8;
	[tilespmem:$0x10400] =	vst v63  }
0x6f: {  	_ =	swait.ge [sflag:s28], $0x8000  }
0x70: {  	[sflag:s28] =	ssyncset.done $0x0  }
0x71: {  	[sflag:s28] =	ssyncadd.s32 $0xFFFF8000  }
0x72: {  	_ =	swait.ge [sflag:s21], $0x8000  }
0x73: {  	[sflag:s21] =	ssyncset.done $0x0  }
0x74: {  	[sflag:s21] =	ssyncadd.s32 $0xFFFF8000  }
0x75: {  	[hbm4b:s11+s3] =	stream.linear.scatter [tilespmem:s20], [sflag:$0x5], $0x8000, $0x38;
	[tilespmem:$0x10400] =	vst v63  }
0x76: {  	_ = 	snop  }
0x77: {  	[tilespmem:s22], [sflag:$0x4] =	stream.indirect.gather [hbm4b:s4+s19], $0x40, s19, s19, $0xb8;
	[tilespmem:$0x10400] =	vst v63  }
0x78: {  	_ =	swait.ge [sflag:s23], $0x8000  }
0x79: {  	[sflag:s23] =	ssyncset.done $0x0  }
0x7a: {  	s29 =	sadd.s32 $0x1, s29;
	[sflag:s23] =	ssyncadd.s32 $0xFFFF8000  }
0x7b: {  	[hbm4b:s12+s3] =	stream.linear.scatter [tilespmem:s22], [sflag:$0x6], $0x8000, $0x38;
	[tilespmem:$0x10400] =	vst v63  }
0x7c: {  	p0 =	sne.s32 s29, s13;
	_ =	swait.ge [sflag:s26], $0x8000  }
.Ltmp1:
0x7d: {  	[sflag:s26] =	ssyncset.done $0x0;
	(pc) =	sbr.rel @p0 .LBB2_1-.Ltmp1, $4  }
0x7e: {  	[sflag:s26] =	ssyncadd.s32 $0xFFFF8000  }
0x7f: {  	_ =	swait.ge [sflag:s28], $0x8000  }
0x80: {  	[sflag:s28] =	ssyncset.done $0x0  }
0x81: {  	[sflag:s28] =	ssyncadd.s32 $0xFFFF8000  }
0x82: {  	_ =	sfence.sel $0x180000  }
0x83: {  	[bflag:$0x0] =	sbarrier.arrive $0xFFFF  }
0x84: {  	_ =	strace $0x90000047  }
0x85: {  	s0 =	stileid.u32;
	[bflag:$0x2] =	sbarrier.arrive $0xFFFF  }
0x86: {  	p0 =	sne.s32 s0, $0x0;
	s0 =	rddreg [dreg:$0x2]  }
0x87: {  	s0 =	sadd.s32 @!p0 $0x100000, s0  }
0x88: {  	[sflag:s0] =	ssyncadd.tile.s32 @!p0 $0x1;
	_ =	shalt  }
.Lfunc_end2:
_tile_overlayer_lowered:
.L_overlay_start_2:
0x89: {  	(tag) =	ssettag $0x2  }
0x8a: {  	s0 =	rddreg [dreg:$0x0];
	s2 =	stileid.u32  }
0x8b: {  	s1 =	rddreg [dreg:$0x1];
	p0 =	sne.s32 s2, $0x0  }
0x8c: {  	s3 =	rddreg [dreg:$0x2];
	[bflag:$0x3] =	sbarrier.arrive $0xFFFF;
	s2 =	simm.s32 @!p0 $0x1C07  }
0x8d: {  	[timem:s3], [sflag:s2] =	dma.local @!p0 [hbm:s0], s1  }
0x8e: {  	s0 =	simm.s32 @!p0 $0x7  }
0x8f: {  	_ =	swait.ge @!p0 [sflag:s0], s1  }
0x90: {  	s1 =	ssub.s32 @!p0 $0x0, s1;
	[sflag:s0] =	ssyncset.done @!p0 $0x0  }
0x91: {  	[sflag:s0] =	ssyncadd.s32 @!p0 s1  }
0x92: {  	[bflag:$0x3] =	sbarrier.arrive $0xFFFF  }
0x93: {  	_ =	shalt  }

// kernel: sparse-core-data-format-call.cloned.1.call-start
scs
called_computation_lowered:
.L_overlay_start_0:
0x0: {  	s2 =	sld [smem:$0x3FD9]  }
0x1: {  	s3 =	sld [smem:$0x3FFE];
	_ =	sdelay $0x1  }
0x2: {  	s1 =	srdreg.scid  }
0x3: {  	s0 =	sand.u32 $0x1, s1  }
0x4: {  	s18 =	sshll.u32 s0, $0xA;
	s2 =	sadd.s32 s3, s2  }
0x5: {  	s2 =	sadd.s32 s2, s18  }
0x6: {  	[smem:$0x3FC6] =	sst s2  }
0x7: {  	_ = 	snop  }
0x8: {  	s2 =	sld [smem:$0x3FD0];
	(tm) =	ssettm $0x1  }
0x9: {  	s19 =	sld [smem:$0x3FFB];
	_ =	sdelay $0x3  }
0xa: {  	_ =	strace s19  }
0xb: {  	s3 =	sld [smem:$0x3FFC];
	_ =	sdelay $0x3  }
0xc: {  	_ =	strace s3  }
0xd: {  	s3 =	sld [smem:$0x3FFD];
	_ =	sdelay $0x3  }
0xe: {  	_ =	strace s3  }
0xf: {  	_ =	strace $0x8FFFFFFF  }
0x10: {  	s20 =	sld [smem:$0x3FDB];
	_ =	sdelay $0x1  }
0x11: {  	s4 =	simm.s32 $_scs_section_size  }
0x12: {  	s5 =	simm.s32 $_size__tile_overlayer_lowered;
	s6 =	simm.s32 $_tile_overlayer_lowered  }
0x13: {  	s23 =	simm.s32 $0x1BFF;
	s22 =	sshll.u32 s6, $0x1;
	s3 =	sadd.s32 s4, s20  }
0x14: {  	s7 =	simm.s32 $0x0;
	s21 =	sshll.u32 s5, $0x1;
	s5 =	sadd.s32 s22, s3  }
0x15: {  	[timem:s7], [sflag:s23] =	dma.local [hbm:s5], s21  }
0x16: {  	_ =	swait.ge [sflag:s23], s21  }
0x17: {  	s4 =	ssub.s32 $0x0, s21;
	[sflag:s23] =	ssyncset.done $0x0  }
0x18: {  	[sflag:s23] =	ssyncadd.s32 s4;
	_ =	sdelay $0x1  }
0x19: {  	s24 =	simm.s32 $0x1B8B  }
0x1a: {  	_ =	swait.ge [sflag:s24], $0x1  }
0x1b: {  	[sflag:s24] =	ssyncset.done $0x0  }
0x1c: {  	s26 =	simm.s32 $0x1B8E;
	s25 =	sld [smem:$0x3FFE];
	[sflag:s24] =	ssyncadd.s32 $0xFFFFFFFF  }
0x1d: {  	s27 =	simm.s32 $execute0_lowered;
	[smem:$0x3FD2] =	sst s26  }
0x1e: {  	s5 =	sshll.u32 s27, $0x1;
	_ =	strace $0x80000049;
	[dreg:$0x1] =	wrdreg $0xFFFFFFFF  }
0x1f: {  	s28 =	simm.s32 $_size_execute0_lowered;
	s3 =	sadd.s32 s3, s5;
	[dreg:$0x0] =	wrdreg $0x0  }
0x20: {  	s5 =	sshll.u32 s28, $0x1;
	[dreg:$0x2] =	wrdreg s3  }
0x21: {  	[dreg:$0x3] =	wrdreg s5  }
0x22: {  	[dreg:$0x4] =	wrdreg $0xC0  }
0x23: {  	_ =	task [dreg:s7], $0x5FFFF  }
0x24: {  	[dreg:$0x1] =	wrdreg $0xFFFFFFFF  }
0x25: {  	[dreg:$0x0] =	wrdreg $0x60  }
0x26: {  	[dreg:$0x2] =	wrdreg s25  }
0x27: {  	[dreg:$0x3] =	wrdreg s2  }
0x28: {  	[dreg:$0x4] =	wrdreg $0x9  }
0x29: {  	_ =	task.clear_ibuf [dreg:s7], $0x5FFFF;
	_ =	strace $0x90000049  }
0x2a: {  	s29 =	simm.s32 $0x9;
	_ =	strace $0x8000004B  }
0x2b: {  	_ =	swait.ge [sflag:s29], $0x1  }
0x2c: {  	[sflag:s29] =	ssyncadd.s32 $0xFFFFFFFF  }
0x2d: {  	_ =	strace $0x9000004B  }
0x2e: {  	_ =	sfence  }
0x2f: {  	s30 =	sld [smem:$0x0];
	_ =	sdelay $0x2  }
0x30: {  	s31 =	sshll.u32 s1, $0xD;
	s1 =	sshrl.u32 s1, $0x2  }
0x31: {  	s3 =	sand.u32 $0x4000, s31;
	s1 =	sadd.s32 s1, s30  }
0x32: {  	s0 =	sor.u32 s3, s0;
	s1 =	sshll.u32 s1, $0x11  }
0x33: {  	s0 =	sor.u32 s1, s0  }
0x34: {  	s0 =	sadd.s32 $0x8F2B, s0  }
0x35: {  	[sflag:s0] =	ssyncadd.remote.s32 $0x1  }
0x36: {  	_ =	sfence.sel $0xFFFF  }
0x37: {  	[dreg:$0x0] =	wrdreg $0xFFFFFFFF;
	(pc) =	sbr.abs _section_cstart, $3  }
0x38: {  	[dreg:$0x1] =	wrdreg $0xFFFFFFFF  }
0x39: {  	_ =	task.clear_ibuf [dreg:s7], $0x2FFFF;
	_ =	strace $0x9FFFFFFF  }
0x3a: {  	(tm) =	ssettm $0x7FFFFFFF  }
0x3b: {  	_ =	shalt  }
tec
execute0_lowered:
.L_overlay_start_1:
0x0: {  	(tag) =	ssettag $0x1  }
0x1: {  	s0 =	srdreg.scid  }
0x2: {  	s1 =	sshll.u32 s0, $0x4  }
0x3: {  	s0 =	stileid.u32;
	s1 =	sand.u32 $0x10, s1  }
0x4: {  	s1 =	sor.u32 s0, s1  }
0x5: {  	s6 =	rddreg [dreg:$0x0];
	s4 =	simm.s32 $0x1;
	s2 =	sshll.u32 s1, $0x7  }
0x6: {  	s7 =	simm.s32 $0x2;
	s13 =	simm.s32 $0x0;
	s1 =	ssub.s32 $0x4000, s2  }
0x7: {  	s8 =	simm.s32 $0x20000;
	s12 =	simm.s32 $0x0;
	s3 =	sand.u32 $0xF80, s1  }
0x8: {  	s9 =	simm.s32 $0x0;
	s5 =	sshrl.u32 s1, $0xC;
	p0 =	sne.s32 s3, $0x0  }
.Ltmp0:
0x9: {  	s1 =	rddreg [dreg:$0x2];
	s4 =	simm.s32 @!p0 $0x0;
	(pc) =	sbr.rel .LBB1_1-.Ltmp0, $4  }
0xa: {  	s11 =	simm.s32 $0x0;
	s3 =	rddreg [dreg:$0x1];
	s5 =	sadd.s32 s4, s5  }
0xb: {  	_ =	strace $0x8000004A;
	s4 =	simm.s32 $0x1;
	s5 =	smul.u32 $0x19, s5  }
0xc: {  	s6 =	sadd.s32 $0xA00, s6;
	s10 =	smov.u32 s2;
	[sflag:s4] =	ssyncpa.u1 $0x0  }
0xd: {  	p0 =	por $0x0, $0x0;
	[sflag:s7] =	ssyncpa.u1 $0x0;
	s7 =	sadd.s32 $0x1, s5  }
.LBB1_4:
0xe: {  	v5 =	vld [tilespmem:s16+$0xFFFFFFD0];
	[tilespmem:s17+$0x2040 ss:$0x81] =	vst.msk $0xffff, v3  }
0xf: {  	v58 =	vld [tilespmem:s16+$0xFFFFFFE0];
	[tilespmem:s17+$0x2850 ss:$0x81] =	vst.msk $0xffff, v4;
	s19 =	sshll.u32 s13, $0xE;
	s20 =	sshll.u32 s12, $0x3  }
0x10: {  	s18 =	sshra.s32 s18, $0x2;
	v59 =	vld [tilespmem:s16+$0xFFFFFFF0];
	[tilespmem:s17+$0x3060 ss:$0x81] =	vst.msk $0xffff, v2;
	s19 =	sand.u32 $0xFFFE0000, s19;
	s21 =	sand.u32 $0xFFFFFC00, s20  }
0x11: {  	[tilespmem:s17+$0x0 ss:$0x81] =	vst.msk $0xffff, v0;
	v60 =	vld [tilespmem:s16+$0x0];
	s15 =	sadd.s32 s18, s15;
	s25 =	sadd.s32 s21, s19  }
0x12: {  	v61 =	vld [tilespmem:s16+$0x10];
	[tilespmem:s15+$0x3870 ss:$0x81] =	vst.msk $0xffff, v1;
	s17 =	sshrl.u32 s25, $0xE  }
0x13: {  	v62 =	vld [tilespmem:s16+$0x20];
	s26 =	smulhi.u32 $0x147AE2, s17;
	[tilespmem:s15+$0x810 ss:$0x81] =	vst.msk $0xffff, v5  }
0x14: {  	v63 =	vld [tilespmem:s16+$0xFFFFFFC0];
	s27 =	sand.u32 $0x78, s12;
	s28 =	sshll.u32 s13, $0x7;
	s29 =	sand.u32 $0x3C00, s20;
	[tilespmem:s15+$0x1020 ss:$0x81] =	vst.msk $0xffff, v58  }
0x15: {  	s13 =	sand.u32 $0x380, s28;
	s16 =	sor.u32 s27, s29;
	[tilespmem:s15+$0x1830 ss:$0x81] =	vst.msk $0xffff, v59;
	s18 =	smul.u32 $0xC80, s26  }
0x16: {  	s13 =	sor.u32 s13, s16;
	[tilespmem:s15+$0x2040 ss:$0x81] =	vst.msk $0xffff, v60  }
0x17: {  	s31 =	sand.u32 $0x7, s12;
	s13 =	sshrl.u32 s13, $0x3;
	[tilespmem:s15+$0x2850 ss:$0x81] =	vst.msk $0xffff, v61;
	s30 =	ssub.s32 s17, s18  }
0x18: {  	s12 =	sshll.u32 s31, $0x12;
	[tilespmem:s15+$0x3060 ss:$0x81] =	vst.msk $0xffff, v62;
	s13 =	sadd.s32 s3, s13;
	s16 =	sshll.u32 s30, $0xB  }
0x19: {  	s12 =	sor.u32 $0x400, s12;
	[tilespmem:s15+$0x0 ss:$0x81] =	vst.msk $0xffff, v63;
	s13 =	sadd.s32 s16, s13  }
0x1a: {  	[hbm4b:s13+s12] =	stream.strided.scatter [tilespmem:s14], [sflag:$0x2], $0x4000, s8, s12, $0x20;
	[tilespmem:$0x10100] =	vst v63  }
.LBB1_5:
0x1b: {  	s14 =	sadd.s32 $0x80, s9  }
0x1c: {  	s12 =	sadd.s32 $0x1000, s10;
	s16 =	smov.u32 s10;
	p2 =	sgt.s32 s14, $0xC7F  }
0x1d: {  	s16 =	smov.u32 @p2 s12  }
0x1e: {  	s14 =	simm.s32 @p2 $0x0;
	p2 =	sgt.s32 s16, $0x3FFF  }
0x1f: {  	s16 =	smov.u32 @p2 s2;
	p2 =	sne.s32 s11, s7  }
.Ltmp1:
0x20: {  	p1 =	slt.u32 s11, $0x2;
	(pc) =	sbr.rel @!p2 .LBB1_6-.Ltmp1, $4  }
0x21: {  	s15 =	simm.s32 @!p1 $0x2  }
0x22: {  	s13 =	smov.u32 s9;
	p0 =	por !p0, !p0;
	_ =	swait.ge @!p1 [sflag:s15], $0x4000  }
0x23: {  	s12 =	smov.u32 s10;
	[sflag:s15] =	ssyncset.done @!p1 $0x0;
	s9 =	smov.u32 s14  }
0x24: {  	s11 =	sadd.s32 $0x1, s11;
	[sflag:s15] =	ssyncadd.s32 @!p1 $0xFFFFC000;
	s10 =	smov.u32 s16  }
.LBB1_1:
0x25: {  	p1 =	sge.u32 s11, s5  }
0x26: {  	s14 =	sshrl.u32 @!p1 s10, $0x3  }
0x27: {  	s15 =	sshll.u32 @!p1 s9, $0x3;
	s14 =	smul.u32 @!p1 $0x6400, s14  }
0x28: {  	s16 =	sshll.u32 @!p1 s10, $0x7;
	s15 =	sand.u32 @!p1 $0xFFFFFC00, s15  }
0x29: {  	s14 =	sadd.s32 @!p1 s14, s15;
	s15 =	sand.u32 @!p1 $0x380, s16  }
0x2a: {  	s16 =	sand.u32 @!p1 $0x7F, s9;
	s14 =	sor.u32 @!p1 s15, s14  }
0x2b: {  	s15 =	sor.u32 @!p1 s16, s14  }
0x2c: {  	s16 =	smulhi.u32 @!p1 $0x51EB851F, s15;
	_ =	sdelay $0x1  }
0x2d: {  	s14 =	smulhi.u32 @!p1 $0x51EB851F, s14;
	s16 =	sshrl.u32 @!p1 s16, $0xA  }
0x2e: {  	s16 =	smul.u32 @!p1 $0xC80, s16  }
0x2f: {  	s31 =	sadd.s32 $0xFFFFFFFF, s11;
	s17 =	sxor.u32 @!p1 $0xFFFFFFFF, s11;
	s14 =	sshrl.u32 @!p1 s14, $0xA  }
0x30: {  	s17 =	sshll.u32 @!p1 s17, $0xE;
	s14 =	sand.u32 @!p1 $0x3FFF, s14;
	s15 =	ssub.s32 @!p1 s15, s16  }
0x31: {  	s14 =	smul.u32 @!p1 $0x190, s14;
	s16 =	sshrl.u32 @!p1 s15, $0x3;
	s15 =	sand.u32 @!p1 $0x7, s15  }
0x32: {  	s17 =	sand.u32 @!p1 $0x4000, s17;
	s16 =	sadd.s32 @!p1 s6, s16;
	s15 =	sshll.u32 @!p1 s15, $0x12  }
0x33: {  	s14 =	sadd.s32 @!p1 s14, s16;
	s15 =	sor.u32 @!p1 $0x400, s15;
	s16 =	simm.s32 @!p1 $0x6400  }
0x34: {  	[tilespmem:s17], [sflag:$0x1] =	stream.strided.gather @!p1 [hbm4b:s14+s15], $0x4000, s16, s15, $0x38;
	[tilespmem:$0x10100] =	vst v63  }
0x35: {  	p1 =	sge.u32 s31, s5  }
.Ltmp2:
0x36: {  	_ = 	snop;
	(pc) =	sbr.rel @p1 .LBB1_5-.Ltmp2, $1  }
0x37: {  	_ =	sdelay $0x3  }
0x38: {  	s14 =	simm.s32 $0x1  }
0x39: {  	_ =	swait.ge [sflag:s4], $0x4000;
	s14 =	simm.s32 @!p0 $0x0  }
0x3a: {  	[sflag:s4] =	ssyncset.done $0x0;
	s15 =	sshll.u32 s14, $0xE  }
0x3b: {  	[sflag:s4] =	ssyncadd.s32 $0xFFFFC000;
	s16 =	sor.u32 $0x40, s15  }
0x3c: {  	s14 =	smul.u32 $0x10200, s14;
	v0 =	vld [tilespmem:s16+$0x30]  }
0x3d: {  	v1 =	vld [tilespmem:s16+$0xFFFFFFD0]  }
0x3e: {  	s14 =	sshrl.u32 s14, $0x2;
	v5 =	vld [tilespmem:s16+$0xFFFFFFE0]  }
0x3f: {  	v6 =	vld [tilespmem:s16+$0xFFFFFFF0];
	s15 =	sor.u32 $0x8000, s14  }
0x40: {  	s31 =	sand.u32 $0x1, s11;
	v3 =	vld [tilespmem:s16+$0x0];
	s17 =	sadd.s32 $0x0, s15  }
0x41: {  	v4 =	vld [tilespmem:s16+$0x10];
	s14 =	smul.u32 $0x10200, s31;
	[tilespmem:s17+$0x3870 ss:$0x81] =	vst.msk $0xffff, v0  }
0x42: {  	v2 =	vld [tilespmem:s16+$0x20];
	[tilespmem:s17+$0x810 ss:$0x81] =	vst.msk $0xffff, v1  }
0x43: {  	s14 =	sshrl.u32 s14, $0x2;
	v0 =	vld [tilespmem:s16+$0xFFFFFFC0];
	[tilespmem:s17+$0x1020 ss:$0x81] =	vst.msk $0xffff, v5;
	s16 =	sadd.s32 $0x80, s16  }
0x44: {  	s18 =	simm.s32 $0x4;
	s19 =	simm.s32 $0x8;
	s14 =	sor.u32 $0x8000, s14;
	[tilespmem:s17+$0x1830 ss:$0x81] =	vst.msk $0xffff, v6;
	v1 =	vld [tilespmem:s16+$0x30]  }
.LBB1_3:
0x45: {  	p1 =	sne.s32 s19, $0x1FC;
	v5 =	vld [tilespmem:s16+$0xFFFFFFD0];
	[tilespmem:s17+$0x2040 ss:$0x81] =	vst.msk $0xffff, v3  }
0x46: {  	v6 =	vld [tilespmem:s16+$0xFFFFFFE0];
	[tilespmem:s17+$0x2850 ss:$0x81] =	vst.msk $0xffff, v4  }
0x47: {  	s20 =	sshra.s32 s18, $0x2;
	s18 =	smov.u32 s19;
	v7 =	vld [tilespmem:s16+$0xFFFFFFF0];
	[tilespmem:s17+$0x3060 ss:$0x81] =	vst.msk $0xffff, v2  }
.Ltmp3:
0x48: {  	v3 =	vld [tilespmem:s16+$0x0];
	[tilespmem:s17+$0x0 ss:$0x81] =	vst.msk $0xffff, v0;
	s17 =	sadd.s32 s20, s15;
	(pc) =	sbr.rel @p1 .LBB1_3-.Ltmp3, $4  }
0x49: {  	v4 =	vld [tilespmem:s16+$0x10];
	[tilespmem:s17+$0x3870 ss:$0x81] =	vst.msk $0xffff, v1  }
0x4a: {  	[tilespmem:s17+$0x810 ss:$0x81] =	vst.msk $0xffff, v5;
	v2 =	vld [tilespmem:s16+$0x20]  }
0x4b: {  	v0 =	vld [tilespmem:s16+$0xFFFFFFC0];
	[tilespmem:s17+$0x1020 ss:$0x81] =	vst.msk $0xffff, v6;
	s16 =	sadd.s32 $0x80, s16  }
0x4c: {  	s19 =	sadd.s32 $0x4, s19;
	v1 =	vld [tilespmem:s16+$0x30];
	[tilespmem:s17+$0x1830 ss:$0x81] =	vst.msk $0xffff, v7  }
.Ltmp4:
0x4d: {  	_ = 	snop;
	(pc) =	sbr.rel .LBB1_4-.Ltmp4, $1  }
0x4e: {  	_ =	sdelay $0x3  }
.LBB1_6:
0x4f: {  	_ =	sfence.sel $0x180000  }
0x50: {  	s2 =	simm.s32 $0x1;
	[bflag:$0x0] =	sbarrier.arrive $0xFFFF  }
0x51: {  	s31 =	simm.s32 $0x2;
	[sflag:s2] =	ssyncpa.u1 $0x1  }
0x52: {  	[sflag:s31] =	ssyncpa.u1 $0x1  }
0x53: {  	p0 =	sne.s32 s0, $0x0;
	_ =	strace $0x9000004A  }
0x54: {  	s0 =	sadd.s32 @!p0 $0x100000, s1;
	[bflag:$0x2] =	sbarrier.arrive $0xFFFF  }
0x55: {  	[sflag:s0] =	ssyncadd.tile.s32 @!p0 $0x1;
	_ =	shalt  }
.Lfunc_end1:
_tile_overlayer_lowered:
.L_overlay_start_2:
0x56: {  	(tag) =	ssettag $0x2  }
0x57: {  	s0 =	rddreg [dreg:$0x0];
	s2 =	stileid.u32  }
0x58: {  	s1 =	rddreg [dreg:$0x1];
	p0 =	sne.s32 s2, $0x0  }
0x59: {  	s3 =	rddreg [dreg:$0x2];
	[bflag:$0x3] =	sbarrier.arrive $0xFFFF;
	s2 =	simm.s32 @!p0 $0x1C01  }
0x5a: {  	[timem:s3], [sflag:s2] =	dma.local @!p0 [hbm:s0], s1  }
0x5b: {  	s0 =	simm.s32 @!p0 $0x1  }
0x5c: {  	_ =	swait.ge @!p0 [sflag:s0], s1  }
0x5d: {  	s1 =	ssub.s32 @!p0 $0x0, s1;
	[sflag:s0] =	ssyncset.done @!p0 $0x0  }
0x5e: {  	[sflag:s0] =	ssyncadd.s32 @!p0 s1  }
0x5f: {  	[bflag:$0x3] =	sbarrier.arrive $0xFFFF  }
0x60: {  	_ =	shalt  }

</sc_bundles>
